<compile_context>
chip_gen: v7x
topology: tpu7x:2x2x1
jax: 0.10.2.dev20260603
libtpu: 0.0.44.dev20260713+nightly
codegen_flags: <defaults>
</compile_context>

<pallas_src>
import functools

import jax
import jax.numpy as jnp
from jax import lax
from jax.experimental import pallas as pl
from jax.experimental.pallas import tpu as pltpu
from jax.experimental.pallas import tpu_sc as plsc

B = 16384
N_CONT = 26
D_MODEL = 512
D_UPC = 32
D_STORE = 16

_NC = 2
_NS = 16
_NW = _NC * _NS
_BPW = B // _NW

_TILE = 512
_NB = B // _TILE



def _sc_gather_body(upc_ids, store_ids, upc_table, store_table,
                    upc_out, store_out,
                    uidx_v, sidx_v, urows_v, srows_v, sem_u, sem_s):
    wid = lax.axis_index("s") * _NC + lax.axis_index("c")
    base = wid * _BPW
    pltpu.sync_copy(upc_ids.at[pl.ds(base, _BPW)], uidx_v)
    pltpu.sync_copy(store_ids.at[pl.ds(base, _BPW)], sidx_v)
    cu = pltpu.async_copy(upc_table.at[uidx_v], urows_v, sem_u)
    cs = pltpu.async_copy(store_table.at[sidx_v], srows_v, sem_s)
    cu.wait()
    cs.wait()
    pltpu.sync_copy(urows_v, upc_out.at[pl.ds(base, _BPW)])
    pltpu.sync_copy(srows_v, store_out.at[pl.ds(base, _BPW)])


def _sc_gather(upc_ids, store_ids, upc_table, store_table):
    mesh = plsc.VectorSubcoreMesh(core_axis_name="c", subcore_axis_name="s")
    fn = pl.kernel(
        _sc_gather_body,
        mesh=mesh,
        compiler_params=pltpu.CompilerParams(use_tc_tiling_on_sc=False),
        out_type=[
            jax.ShapeDtypeStruct((B, D_UPC), jnp.float32),
            jax.ShapeDtypeStruct((B, D_STORE), jnp.float32),
        ],
        scratch_types=[
            pltpu.VMEM((_BPW,), jnp.int32),
            pltpu.VMEM((_BPW,), jnp.int32),
            pltpu.VMEM((_BPW, D_UPC), jnp.float32),
            pltpu.VMEM((_BPW, D_STORE), jnp.float32),
            pltpu.SemaphoreType.DMA,
            pltpu.SemaphoreType.DMA,
        ],
    )
    return fn(upc_ids, store_ids, upc_table, store_table)



def _tc_body(mids_ref, cont_ref, upc_ref, store_ref, mtab_ref,
             W1_ref, b1_ref, g1_ref, W2a_ref, W2b_ref, W2m_ref, W2d_ref,
             b2_ref, g2_ref, W3_ref, b3_ref, out_ref):
    eps = jnp.finfo(jnp.float32).eps

    x = cont_ref[...]
    x = jnp.sign(x) * jnp.log1p(jnp.abs(x))
    c = jnp.dot(x, W1_ref[...], preferred_element_type=jnp.float32) + b1_ref[...]
    c = c * jax.nn.sigmoid(c)
    c = c * lax.rsqrt(jnp.mean(c * c, axis=-1, keepdims=True) + eps) * g1_ref[...]

    mids = mids_ref[0, 0, :]
    onehot = (mids[:, None] == lax.broadcasted_iota(jnp.int32, (_TILE, 16), 1))
    memb = jnp.dot(onehot.astype(jnp.float32), mtab_ref[...],
                   preferred_element_type=jnp.float32)

    h = (jnp.dot(upc_ref[...], W2a_ref[...], preferred_element_type=jnp.float32)
         + jnp.dot(store_ref[...], W2b_ref[...], preferred_element_type=jnp.float32)
         + jnp.dot(memb, W2m_ref[...], preferred_element_type=jnp.float32)
         + jnp.dot(c, W2d_ref[...], preferred_element_type=jnp.float32)
         + b2_ref[...])
    h = h * jax.nn.sigmoid(h)
    h = h * lax.rsqrt(jnp.mean(h * h, axis=-1, keepdims=True) + eps) * g2_ref[...]

    out_ref[...] = (jnp.dot(h, W3_ref[...], preferred_element_type=jnp.float32)
                    + b3_ref[...])


def _full(shape):
    return pl.BlockSpec(shape, lambda i: (0,) * len(shape))


def _tc_mlp(month_ids3, continuous_feats, upc_g, store_g, mtab_pad,
            W1, b1, g1, W2a, W2b, W2m, W2d, b2, g2, W3, b3):
    return pl.pallas_call(
        _tc_body,
        grid=(_NB,),
        in_specs=[
            pl.BlockSpec((1, 1, _TILE), lambda i: (i, 0, 0)),
            pl.BlockSpec((_TILE, N_CONT), lambda i: (i, 0)),
            pl.BlockSpec((_TILE, D_UPC), lambda i: (i, 0)),
            pl.BlockSpec((_TILE, D_STORE), lambda i: (i, 0)),
            _full((16, 6)),
            _full((N_CONT, 32)),
            _full((1, 32)),
            _full((1, 32)),
            _full((D_UPC, 128)),
            _full((D_STORE, 128)),
            _full((6, 128)),
            _full((32, 128)),
            _full((1, 128)),
            _full((1, 128)),
            _full((128, D_MODEL)),
            _full((1, D_MODEL)),
        ],
        out_specs=pl.BlockSpec((_TILE, D_MODEL), lambda i: (i, 0)),
        out_shape=jax.ShapeDtypeStruct((B, D_MODEL), jnp.float32),
    )(month_ids3, continuous_feats, upc_g, store_g, mtab_pad,
      W1, b1, g1, W2a, W2b, W2m, W2d, b2, g2, W3, b3)



def kernel(upc_ids, store_ids, continuous_feats, month_ids,
           upc_table, store_table, month_table,
           W1, b1, g1, W2, b2, g2, W3, b3):
    upc_ids = upc_ids.astype(jnp.int32)
    store_ids = store_ids.astype(jnp.int32)
    month_ids3 = month_ids.astype(jnp.int32).reshape(_NB, 1, _TILE)

    upc_g, store_g = _sc_gather(upc_ids, store_ids, upc_table, store_table)

    W2a = W2[0:32]
    W2b = W2[32:48]
    W2m = W2[64:70]
    W2d = W2[70:102]
    mtab_pad = jnp.zeros((16, 6), jnp.float32).at[:12].set(month_table)

    return _tc_mlp(month_ids3, continuous_feats, upc_g, store_g, mtab_pad,
                   W1, b1.reshape(1, -1), g1.reshape(1, -1),
                   W2a, W2b, W2m, W2d, b2.reshape(1, -1), g2.reshape(1, -1),
                   W3, b3.reshape(1, -1))

# --- scband reference (transcript-rebuilt; emitter-appended) ---
"""Pipeline reference for scband-entity-encoder-76338748719298 (READ-ONLY COPY).

The authoritative reference and input builder live on the scoring server;
editing this copy changes nothing except your own understanding.
"""

import jax, jax.numpy as jnp
import numpy as np

B = 16384
N_UPCS = 1000000
N_STORES = 100000
N_CONT = 26
D_MODEL = 512
CAT_DIM = 32 + 16 + 16 + 6 + 32  # upc + store + brand-zeros + month + cont = 102


def _symlog(x):
    return jnp.sign(x) * jnp.log1p(jnp.abs(x))


def _rmsnorm(x, w):
    eps = jnp.finfo(x.dtype).eps
    return x * jax.lax.rsqrt(jnp.mean(x * x, axis=-1, keepdims=True) + eps) * w


def setup_inputs(seed: int = 0) -> dict:
    key = jax.random.key(seed)
    ks = jax.random.split(key, 16)
    inp = {
        "upc_ids": jax.random.randint(ks[0], (B,), 0, N_UPCS, dtype=jnp.int64 if jax.config.jax_enable_x64 else jnp.int32),
        "store_ids": jax.random.randint(ks[1], (B,), 0, N_STORES, dtype=jnp.int64 if jax.config.jax_enable_x64 else jnp.int32),
        "continuous_feats": jax.random.normal(ks[2], (B, N_CONT), dtype=jnp.float32),
        "month_ids": jax.random.randint(ks[3], (B,), 0, 12, dtype=jnp.int64 if jax.config.jax_enable_x64 else jnp.int32),
        # learned parameters
        "upc_table": jax.random.normal(ks[4], (N_UPCS, 32), dtype=jnp.float32) * 0.02,
        "store_table": jax.random.normal(ks[5], (N_STORES, 16), dtype=jnp.float32) * 0.02,
        "month_table": jax.random.normal(ks[6], (12, 6), dtype=jnp.float32) * 0.02,
        "W1": jax.random.normal(ks[7], (N_CONT, 32), dtype=jnp.float32) * (1.0 / np.sqrt(N_CONT)),
        "b1": jnp.zeros((32,), dtype=jnp.float32),
        "g1": jnp.ones((32,), dtype=jnp.float32),
        "W2": jax.random.normal(ks[8], (CAT_DIM, 128), dtype=jnp.float32) * (1.0 / np.sqrt(CAT_DIM)),
        "b2": jnp.zeros((128,), dtype=jnp.float32),
        "g2": jnp.ones((128,), dtype=jnp.float32),
        "W3": jax.random.normal(ks[9], (128, D_MODEL), dtype=jnp.float32) * (1.0 / np.sqrt(128)),
        "b3": jnp.zeros((D_MODEL,), dtype=jnp.float32),
    }
    return inp


def reference(upc_ids, store_ids, continuous_feats, month_ids,
              upc_table, store_table, month_table,
              W1, b1, g1, W2, b2, g2, W3, b3):
    upc = jnp.take(upc_table, upc_ids, axis=0)
    store = jnp.take(store_table, store_ids, axis=0)
    month = jnp.take(month_table, month_ids, axis=0)
    cont = _symlog(continuous_feats) @ W1 + b1
    cont = _rmsnorm(jax.nn.silu(cont), g1)
    brand_zeros = jnp.zeros(upc_ids.shape + (16,), dtype=continuous_feats.dtype)
    h = jnp.concatenate([upc, store, brand_zeros, month, cont], axis=-1)
    h = h @ W2 + b2
    h = _rmsnorm(jax.nn.silu(h), g2)
    return h @ W3 + b3

if __name__ == "__main__":
    import jax
    _d = setup_inputs()
    print(jax.jit(kernel)(*tuple(_d.values())))

</pallas_src>

<mosaic_0001>
#map = affine_map<(d0, d1) -> (0)>
#map1 = affine_map<(d0, d1) -> (0, 0)>
module attributes {stable_mosaic.version = 14 : i64} {
  func.func @_sc_gather_body(%arg0: i32, %arg1: i32, %arg2: memref<16384xi32, #tpu.memory_space<hbm>>, %arg3: memref<16384xi32, #tpu.memory_space<hbm>>, %arg4: memref<1000000x32xf32, #tpu.memory_space<hbm>>, %arg5: memref<100000x16xf32, #tpu.memory_space<hbm>>, %arg6: memref<16384x32xf32, #tpu.memory_space<hbm>>, %arg7: memref<16384x16xf32, #tpu.memory_space<hbm>>, %arg8: memref<512xi32, #tpu.memory_space<vmem>>, %arg9: memref<512xi32, #tpu.memory_space<vmem>>, %arg10: memref<512x32xf32, #tpu.memory_space<vmem>>, %arg11: memref<512x16xf32, #tpu.memory_space<vmem>>, %arg12: memref<!tpu.dma_semaphore, #tpu.memory_space<semaphore_mem>>, %arg13: memref<!tpu.dma_semaphore, #tpu.memory_space<semaphore_mem>>) attributes {dimension_semantics = [#tpu.dimension_semantics<core_parallel>, #tpu.dimension_semantics<subcore_parallel>], iteration_bounds = array<i64: 2, 16>, scalar_prefetch = 0 : i64, scratch_operands = 6 : i64, tpu.core_type = #tpu.core_type<sc_vector_subcore>, window_params = [{transform_indices = #map}, {transform_indices = #map}, {transform_indices = #map1}, {transform_indices = #map1}, {transform_indices = #map1}, {transform_indices = #map1}]} {
    %mul3A = arith.constant 2 : i32
    %mul3A_0 = arith.muli %arg1, %mul3A : i32
    %add3A = arith.addi %mul3A_0, %arg0 : i32
    %mul3A_1 = arith.constant 512 : i32
    %mul3A_2 = arith.muli %add3A, %mul3A_1 : i32
    "tpu.region"() ({
      %run_scoped3A = tpu.sem_alloc : memref<!tpu.dma_semaphore, #tpu.memory_space<semaphore_mem>>
      %dma_start3A_13 = tpu.memref_slice %arg2[%mul3A_2] : memref<16384xi32, #tpu.memory_space<hbm>> -> memref<512xi32, #tpu.memory_space<hbm>>
      %dma_start3A_14 = tpu.memref_slice %arg2[%mul3A_2] : memref<16384xi32, #tpu.memory_space<hbm>> -> memref<512xi32, #tpu.memory_space<hbm>>
      tpu.enqueue_dma source(%dma_start3A_14 : memref<512xi32, #tpu.memory_space<hbm>>) target(%arg8 : memref<512xi32, #tpu.memory_space<vmem>>) target_semaphore(%run_scoped3A : memref<!tpu.dma_semaphore, #tpu.memory_space<semaphore_mem>>)
      %dma_wait3A_15 = tpu.memref_slice %arg2[%mul3A_2] : memref<16384xi32, #tpu.memory_space<hbm>> -> memref<512xi32, #tpu.memory_space<hbm>>
      %dma_wait3A_16 = tpu.memref_slice %arg2[%mul3A_2] : memref<16384xi32, #tpu.memory_space<hbm>> -> memref<512xi32, #tpu.memory_space<hbm>>
      tpu.wait_dma2 semaphore(%run_scoped3A : memref<!tpu.dma_semaphore, #tpu.memory_space<semaphore_mem>>) src(%dma_wait3A_16 : memref<512xi32, #tpu.memory_space<hbm>>) dst(%arg8 : memref<512xi32, #tpu.memory_space<vmem>>)
      tpu.yield
    }) : () -> ()
    "tpu.region"() ({
      %run_scoped3A = tpu.sem_alloc : memref<!tpu.dma_semaphore, #tpu.memory_space<semaphore_mem>>
      %dma_start3A_13 = tpu.memref_slice %arg3[%mul3A_2] : memref<16384xi32, #tpu.memory_space<hbm>> -> memref<512xi32, #tpu.memory_space<hbm>>
      %dma_start3A_14 = tpu.memref_slice %arg3[%mul3A_2] : memref<16384xi32, #tpu.memory_space<hbm>> -> memref<512xi32, #tpu.memory_space<hbm>>
      tpu.enqueue_dma source(%dma_start3A_14 : memref<512xi32, #tpu.memory_space<hbm>>) target(%arg9 : memref<512xi32, #tpu.memory_space<vmem>>) target_semaphore(%run_scoped3A : memref<!tpu.dma_semaphore, #tpu.memory_space<semaphore_mem>>)
      %dma_wait3A_15 = tpu.memref_slice %arg3[%mul3A_2] : memref<16384xi32, #tpu.memory_space<hbm>> -> memref<512xi32, #tpu.memory_space<hbm>>
      %dma_wait3A_16 = tpu.memref_slice %arg3[%mul3A_2] : memref<16384xi32, #tpu.memory_space<hbm>> -> memref<512xi32, #tpu.memory_space<hbm>>
      tpu.wait_dma2 semaphore(%run_scoped3A : memref<!tpu.dma_semaphore, #tpu.memory_space<semaphore_mem>>) src(%dma_wait3A_16 : memref<512xi32, #tpu.memory_space<hbm>>) dst(%arg9 : memref<512xi32, #tpu.memory_space<vmem>>)
      tpu.yield
    }) : () -> ()
    %dma_start3A = arith.constant 0 : i32
    %dma_start3A_3 = arith.constant 0 : i32
    %dma_start3A_4 = tpu.memref_slice %arg4[%dma_start3A, %dma_start3A_3] : memref<1000000x32xf32, #tpu.memory_space<hbm>> -> memref<1000000x32xf32, #tpu.memory_space<hbm>>
    tpu.enqueue_indirect_dma source(%dma_start3A_4 : memref<1000000x32xf32, #tpu.memory_space<hbm>>) target(%arg10 : memref<512x32xf32, #tpu.memory_space<vmem>>) offsets(%arg8 : memref<512xi32, #tpu.memory_space<vmem>>) semaphore(%arg12 : memref<!tpu.dma_semaphore, #tpu.memory_space<semaphore_mem>>)
    %dma_start3A_5 = arith.constant 0 : i32
    %dma_start3A_6 = arith.constant 0 : i32
    %dma_start3A_7 = tpu.memref_slice %arg5[%dma_start3A_5, %dma_start3A_6] : memref<100000x16xf32, #tpu.memory_space<hbm>> -> memref<100000x16xf32, #tpu.memory_space<hbm>>
    tpu.enqueue_indirect_dma source(%dma_start3A_7 : memref<100000x16xf32, #tpu.memory_space<hbm>>) target(%arg11 : memref<512x16xf32, #tpu.memory_space<vmem>>) offsets(%arg9 : memref<512xi32, #tpu.memory_space<vmem>>) semaphore(%arg13 : memref<!tpu.dma_semaphore, #tpu.memory_space<semaphore_mem>>)
    %dma_wait3A = arith.constant 0 : i32
    %dma_wait3A_8 = arith.constant 0 : i32
    %dma_wait3A_9 = tpu.memref_slice %arg4[%dma_wait3A, %dma_wait3A_8] : memref<1000000x32xf32, #tpu.memory_space<hbm>> -> memref<1000000x32xf32, #tpu.memory_space<hbm>>
    tpu.wait_indirect_dma semaphore(%arg12 : memref<!tpu.dma_semaphore, #tpu.memory_space<semaphore_mem>>) src(%dma_wait3A_9 : memref<1000000x32xf32, #tpu.memory_space<hbm>>) dst(%arg10 : memref<512x32xf32, #tpu.memory_space<vmem>>)
    %dma_wait3A_10 = arith.constant 0 : i32
    %dma_wait3A_11 = arith.constant 0 : i32
    %dma_wait3A_12 = tpu.memref_slice %arg5[%dma_wait3A_10, %dma_wait3A_11] : memref<100000x16xf32, #tpu.memory_space<hbm>> -> memref<100000x16xf32, #tpu.memory_space<hbm>>
    tpu.wait_indirect_dma semaphore(%arg13 : memref<!tpu.dma_semaphore, #tpu.memory_space<semaphore_mem>>) src(%dma_wait3A_12 : memref<100000x16xf32, #tpu.memory_space<hbm>>) dst(%arg11 : memref<512x16xf32, #tpu.memory_space<vmem>>)
    "tpu.region"() ({
      %run_scoped3A = tpu.sem_alloc : memref<!tpu.dma_semaphore, #tpu.memory_space<semaphore_mem>>
      %dma_start3A_13 = arith.constant 0 : i32
      %dma_start3A_14 = tpu.memref_slice %arg6[%mul3A_2, %dma_start3A_13] : memref<16384x32xf32, #tpu.memory_space<hbm>> -> memref<512x32xf32, #tpu.memory_space<hbm>>
      %dma_start3A_15 = arith.constant 0 : i32
      %dma_start3A_16 = tpu.memref_slice %arg6[%mul3A_2, %dma_start3A_15] : memref<16384x32xf32, #tpu.memory_space<hbm>> -> memref<512x32xf32, #tpu.memory_space<hbm>>
      tpu.enqueue_dma source(%arg10 : memref<512x32xf32, #tpu.memory_space<vmem>>) target(%dma_start3A_16 : memref<512x32xf32, #tpu.memory_space<hbm>>) target_semaphore(%run_scoped3A : memref<!tpu.dma_semaphore, #tpu.memory_space<semaphore_mem>>)
      %dma_wait3A_17 = arith.constant 0 : i32
      %dma_wait3A_18 = tpu.memref_slice %arg6[%mul3A_2, %dma_wait3A_17] : memref<16384x32xf32, #tpu.memory_space<hbm>> -> memref<512x32xf32, #tpu.memory_space<hbm>>
      %dma_wait3A_19 = arith.constant 0 : i32
      %dma_wait3A_20 = tpu.memref_slice %arg6[%mul3A_2, %dma_wait3A_19] : memref<16384x32xf32, #tpu.memory_space<hbm>> -> memref<512x32xf32, #tpu.memory_space<hbm>>
      tpu.wait_dma2 semaphore(%run_scoped3A : memref<!tpu.dma_semaphore, #tpu.memory_space<semaphore_mem>>) src(%arg10 : memref<512x32xf32, #tpu.memory_space<vmem>>) dst(%dma_wait3A_20 : memref<512x32xf32, #tpu.memory_space<hbm>>)
      tpu.yield
    }) : () -> ()
    "tpu.region"() ({
      %run_scoped3A = tpu.sem_alloc : memref<!tpu.dma_semaphore, #tpu.memory_space<semaphore_mem>>
      %dma_start3A_13 = arith.constant 0 : i32
      %dma_start3A_14 = tpu.memref_slice %arg7[%mul3A_2, %dma_start3A_13] : memref<16384x16xf32, #tpu.memory_space<hbm>> -> memref<512x16xf32, #tpu.memory_space<hbm>>
      %dma_start3A_15 = arith.constant 0 : i32
      %dma_start3A_16 = tpu.memref_slice %arg7[%mul3A_2, %dma_start3A_15] : memref<16384x16xf32, #tpu.memory_space<hbm>> -> memref<512x16xf32, #tpu.memory_space<hbm>>
      tpu.enqueue_dma source(%arg11 : memref<512x16xf32, #tpu.memory_space<vmem>>) target(%dma_start3A_16 : memref<512x16xf32, #tpu.memory_space<hbm>>) target_semaphore(%run_scoped3A : memref<!tpu.dma_semaphore, #tpu.memory_space<semaphore_mem>>)
      %dma_wait3A_17 = arith.constant 0 : i32
      %dma_wait3A_18 = tpu.memref_slice %arg7[%mul3A_2, %dma_wait3A_17] : memref<16384x16xf32, #tpu.memory_space<hbm>> -> memref<512x16xf32, #tpu.memory_space<hbm>>
      %dma_wait3A_19 = arith.constant 0 : i32
      %dma_wait3A_20 = tpu.memref_slice %arg7[%mul3A_2, %dma_wait3A_19] : memref<16384x16xf32, #tpu.memory_space<hbm>> -> memref<512x16xf32, #tpu.memory_space<hbm>>
      tpu.wait_dma2 semaphore(%run_scoped3A : memref<!tpu.dma_semaphore, #tpu.memory_space<semaphore_mem>>) src(%arg11 : memref<512x16xf32, #tpu.memory_space<vmem>>) dst(%dma_wait3A_20 : memref<512x16xf32, #tpu.memory_space<hbm>>)
      tpu.yield
    }) : () -> ()
    return
  }
}

module attributes {stable_mosaic.version = 14 : i64} {
  func.func @_tc_body(%arg0: i32, %arg1: memref<1x1x512xi32, #tpu.memory_space<vmem>>, %arg2: memref<512x26xf32, #tpu.memory_space<vmem>>, %arg3: memref<512x32xf32, #tpu.memory_space<vmem>>, %arg4: memref<512x16xf32, #tpu.memory_space<vmem>>, %arg5: memref<16x6xf32, #tpu.memory_space<vmem>>, %arg6: memref<26x32xf32, #tpu.memory_space<vmem>>, %arg7: memref<1x32xf32, #tpu.memory_space<vmem>>, %arg8: memref<1x32xf32, #tpu.memory_space<vmem>>, %arg9: memref<32x128xf32, #tpu.memory_space<vmem>>, %arg10: memref<16x128xf32, #tpu.memory_space<vmem>>, %arg11: memref<6x128xf32, #tpu.memory_space<vmem>>, %arg12: memref<32x128xf32, #tpu.memory_space<vmem>>, %arg13: memref<1x128xf32, #tpu.memory_space<vmem>>, %arg14: memref<1x128xf32, #tpu.memory_space<vmem>>, %arg15: memref<128x512xf32, #tpu.memory_space<vmem>>, %arg16: memref<1x512xf32, #tpu.memory_space<vmem>>, %arg17: memref<512x512xf32, #tpu.memory_space<vmem>>) attributes {dimension_semantics = [#tpu.dimension_semantics<arbitrary>], iteration_bounds = array<i64: 32>, scalar_prefetch = 0 : i64, scratch_operands = 0 : i64, tpu.core_type = #tpu.core_type<tc>, window_params = [{transform_indices = @transform_0, window_bounds = array<i64: 1, 1, 512>}, {transform_indices = @transform_1, window_bounds = array<i64: 512, 26>}, {transform_indices = @transform_2, window_bounds = array<i64: 512, 32>}, {transform_indices = @transform_3, window_bounds = array<i64: 512, 16>}, {pipeline_mode = #tpu.pipeline_mode<synchronous>, transform_indices = @transform_4, window_bounds = array<i64: 16, 6>}, {pipeline_mode = #tpu.pipeline_mode<synchronous>, transform_indices = @transform_5, window_bounds = array<i64: 26, 32>}, {pipeline_mode = #tpu.pipeline_mode<synchronous>, transform_indices = @transform_6, window_bounds = array<i64: 1, 32>}, {pipeline_mode = #tpu.pipeline_mode<synchronous>, transform_indices = @transform_7, window_bounds = array<i64: 1, 32>}, {pipeline_mode = #tpu.pipeline_mode<synchronous>, transform_indices = @transform_8, window_bounds = array<i64: 32, 128>}, {pipeline_mode = #tpu.pipeline_mode<synchronous>, transform_indices = @transform_9, window_bounds = array<i64: 16, 128>}, {pipeline_mode = #tpu.pipeline_mode<synchronous>, transform_indices = @transform_10, window_bounds = array<i64: 6, 128>}, {pipeline_mode = #tpu.pipeline_mode<synchronous>, transform_indices = @transform_11, window_bounds = array<i64: 32, 128>}, {pipeline_mode = #tpu.pipeline_mode<synchronous>, transform_indices = @transform_12, window_bounds = array<i64: 1, 128>}, {pipeline_mode = #tpu.pipeline_mode<synchronous>, transform_indices = @transform_13, window_bounds = array<i64: 1, 128>}, {pipeline_mode = #tpu.pipeline_mode<synchronous>, transform_indices = @transform_14, window_bounds = array<i64: 128, 512>}, {pipeline_mode = #tpu.pipeline_mode<synchronous>, transform_indices = @transform_15, window_bounds = array<i64: 1, 512>}, {transform_indices = @transform_16, window_bounds = array<i64: 512, 512>}]} {
    %get3A = arith.constant 0 : index
    %get3A_0 = arith.constant 0 : index
    %get3A_1 = vector.load %arg2[%get3A, %get3A_0] : memref<512x26xf32, #tpu.memory_space<vmem>>, vector<512x26xf32>
    %sign3A = tpu.bitcast %get3A_1 : vector<512x26xf32> -> vector<512x26xi32>
    %sign3A_2 = arith.constant -2147483648 : i32
    %sign3A_3 = vector.broadcast %sign3A_2 : i32 to vector<512x26xi32>
    %sign3A_4 = arith.andi %sign3A, %sign3A_3 : vector<512x26xi32>
    %sign3A_5 = arith.constant 1065353216 : i32
    %sign3A_6 = vector.broadcast %sign3A_5 : i32 to vector<512x26xi32>
    %sign3A_7 = arith.ori %sign3A_6, %sign3A_4 : vector<512x26xi32>
    %sign3A_8 = tpu.bitcast %sign3A_7 : vector<512x26xi32> -> vector<512x26xf32>
    %sign3A_9 = math.absf %get3A_1 : vector<512x26xf32>
    %sign3A_10 = arith.constant 0.000000e+00 : f32
    %sign3A_11 = vector.broadcast %sign3A_10 : f32 to vector<512x26xf32>
    %sign3A_12 = arith.cmpf ogt, %sign3A_9, %sign3A_11 : vector<512x26xf32>
    %sign3A_13 = arith.select %sign3A_12, %sign3A_8, %get3A_1 : vector<512x26xi1>, vector<512x26xf32>
    %abs3A = math.absf %get3A_1 : vector<512x26xf32>
    %log1p3A = math.log1p %abs3A : vector<512x26xf32>
    %mul3A = arith.mulf %sign3A_13, %log1p3A : vector<512x26xf32>
    %get3A_14 = arith.constant 0 : index
    %get3A_15 = arith.constant 0 : index
    %get3A_16 = vector.load %arg6[%get3A_14, %get3A_15] : memref<26x32xf32, #tpu.memory_space<vmem>>, vector<26x32xf32>
    %dot_general3A = arith.constant dense<0.000000e+00> : vector<512x32xf32>
    %dot_general3A_17 = tpu.matmul %mul3A, %get3A_16, %dot_general3A {dimension_numbers = #tpu.dot_dimension_numbers<[1], [0], [0], [1], [0, 0, 1, 1], [], []>, transpose_lhs_hint = false} : vector<512x26xf32>, vector<26x32xf32>, vector<512x32xf32> -> vector<512x32xf32>
    %get3A_18 = arith.constant 0 : index
    %get3A_19 = arith.constant 0 : index
    %get3A_20 = vector.load %arg7[%get3A_18, %get3A_19] : memref<1x32xf32, #tpu.memory_space<vmem>>, vector<1x32xf32>
    %add3A = vector.broadcast %get3A_20 : vector<1x32xf32> to vector<512x32xf32>
    %add3A_21 = arith.addf %dot_general3A_17, %add3A : vector<512x32xf32>
    %logistic3A = arith.negf %add3A_21 : vector<512x32xf32>
    %logistic3A_22 = math.exp %logistic3A : vector<512x32xf32>
    %logistic3A_23 = arith.constant 1.000000e+00 : f32
    %logistic3A_24 = vector.broadcast %logistic3A_23 : f32 to vector<512x32xf32>
    %logistic3A_25 = arith.addf %logistic3A_24, %logistic3A_22 : vector<512x32xf32>
    %logistic3A_26 = arith.divf %logistic3A_24, %logistic3A_25 : vector<512x32xf32>
    %mul3A_27 = arith.mulf %add3A_21, %logistic3A_26 : vector<512x32xf32>
    %mul3A_28 = arith.mulf %mul3A_27, %mul3A_27 : vector<512x32xf32>
    %reduce_sum3A = arith.constant dense<0.000000e+00> : vector<512xf32>
    %reduce_sum3A_29 = vector.multi_reduction <add>, %mul3A_28, %reduce_sum3A [1] : vector<512x32xf32> to vector<512xf32>
    %broadcast_in_dim3A = vector.shape_cast %reduce_sum3A_29 : vector<512xf32> to vector<512x1xf32>
    %div3A = arith.constant 3.200000e+01 : f32
    %div3A_30 = vector.broadcast %div3A : f32 to vector<512x1xf32>
    %div3A_31 = arith.divf %broadcast_in_dim3A, %div3A_30 : vector<512x1xf32>
    %add3A_32 = arith.constant 1.1920929E-7 : f32
    %add3A_33 = vector.broadcast %add3A_32 : f32 to vector<512x1xf32>
    %add3A_34 = arith.addf %div3A_31, %add3A_33 : vector<512x1xf32>
    %rsqrt3A = math.rsqrt %add3A_34 : vector<512x1xf32>
    %mul3A_35 = vector.broadcast %rsqrt3A : vector<512x1xf32> to vector<512x32xf32>
    %mul3A_36 = arith.mulf %mul3A_27, %mul3A_35 : vector<512x32xf32>
    %get3A_37 = arith.constant 0 : index
    %get3A_38 = arith.constant 0 : index
    %get3A_39 = vector.load %arg8[%get3A_37, %get3A_38] : memref<1x32xf32, #tpu.memory_space<vmem>>, vector<1x32xf32>
    %mul3A_40 = vector.broadcast %get3A_39 : vector<1x32xf32> to vector<512x32xf32>
    %mul3A_41 = arith.mulf %mul3A_36, %mul3A_40 : vector<512x32xf32>
    %get3A_42 = arith.constant 0 : index
    %get3A_43 = arith.constant 0 : index
    %get3A_44 = arith.constant 0 : index
    %get3A_45 = vector.load %arg1[%get3A_42, %get3A_43, %get3A_44] : memref<1x1x512xi32, #tpu.memory_space<vmem>>, vector<1x1x512xi32>
    %get3A_46 = vector.shape_cast %get3A_45 : vector<1x1x512xi32> to vector<512xi32>
    %broadcast_in_dim3A_47 = vector.shape_cast %get3A_46 : vector<512xi32> to vector<512x1xi32>
    %iota3A = tpu.iota {dimensions = array<i32: 1>} : vector<512x16xi32>
    %eq3A = vector.broadcast %broadcast_in_dim3A_47 : vector<512x1xi32> to vector<512x16xi32>
    %eq3A_48 = arith.cmpi eq, %eq3A, %iota3A : vector<512x16xi32>
    %convert_element_type3A = arith.extui %eq3A_48 : vector<512x16xi1> to vector<512x16xi32>
    %convert_element_type3A_49 = arith.sitofp %convert_element_type3A : vector<512x16xi32> to vector<512x16xf32>
    %get3A_50 = arith.constant 0 : index
    %get3A_51 = arith.constant 0 : index
    %get3A_52 = vector.load %arg5[%get3A_50, %get3A_51] : memref<16x6xf32, #tpu.memory_space<vmem>>, vector<16x6xf32>
    %dot_general3A_53 = arith.constant dense<0.000000e+00> : vector<512x6xf32>
    %dot_general3A_54 = tpu.matmul %convert_element_type3A_49, %get3A_52, %dot_general3A_53 {dimension_numbers = #tpu.dot_dimension_numbers<[1], [0], [0], [1], [0, 0, 1, 1], [], []>, transpose_lhs_hint = false} : vector<512x16xf32>, vector<16x6xf32>, vector<512x6xf32> -> vector<512x6xf32>
    %get3A_55 = arith.constant 0 : index
    %get3A_56 = arith.constant 0 : index
    %get3A_57 = vector.load %arg3[%get3A_55, %get3A_56] : memref<512x32xf32, #tpu.memory_space<vmem>>, vector<512x32xf32>
    %get3A_58 = arith.constant 0 : index
    %get3A_59 = arith.constant 0 : index
    %get3A_60 = vector.load %arg9[%get3A_58, %get3A_59] : memref<32x128xf32, #tpu.memory_space<vmem>>, vector<32x128xf32>
    %dot_general3A_61 = arith.constant dense<0.000000e+00> : vector<512x128xf32>
    %dot_general3A_62 = tpu.matmul %get3A_57, %get3A_60, %dot_general3A_61 {dimension_numbers = #tpu.dot_dimension_numbers<[1], [0], [0], [1], [0, 0, 1, 1], [], []>, transpose_lhs_hint = false} : vector<512x32xf32>, vector<32x128xf32>, vector<512x128xf32> -> vector<512x128xf32>
    %get3A_63 = arith.constant 0 : index
    %get3A_64 = arith.constant 0 : index
    %get3A_65 = vector.load %arg4[%get3A_63, %get3A_64] : memref<512x16xf32, #tpu.memory_space<vmem>>, vector<512x16xf32>
    %get3A_66 = arith.constant 0 : index
    %get3A_67 = arith.constant 0 : index
    %get3A_68 = vector.load %arg10[%get3A_66, %get3A_67] : memref<16x128xf32, #tpu.memory_space<vmem>>, vector<16x128xf32>
    %dot_general3A_69 = arith.constant dense<0.000000e+00> : vector<512x128xf32>
    %dot_general3A_70 = tpu.matmul %get3A_65, %get3A_68, %dot_general3A_69 {dimension_numbers = #tpu.dot_dimension_numbers<[1], [0], [0], [1], [0, 0, 1, 1], [], []>, transpose_lhs_hint = false} : vector<512x16xf32>, vector<16x128xf32>, vector<512x128xf32> -> vector<512x128xf32>
    %add3A_71 = arith.addf %dot_general3A_62, %dot_general3A_70 : vector<512x128xf32>
    %get3A_72 = arith.constant 0 : index
    %get3A_73 = arith.constant 0 : index
    %get3A_74 = vector.load %arg11[%get3A_72, %get3A_73] : memref<6x128xf32, #tpu.memory_space<vmem>>, vector<6x128xf32>
    %dot_general3A_75 = arith.constant dense<0.000000e+00> : vector<512x128xf32>
    %dot_general3A_76 = tpu.matmul %dot_general3A_54, %get3A_74, %dot_general3A_75 {dimension_numbers = #tpu.dot_dimension_numbers<[1], [0], [0], [1], [0, 0, 1, 1], [], []>, transpose_lhs_hint = false} : vector<512x6xf32>, vector<6x128xf32>, vector<512x128xf32> -> vector<512x128xf32>
    %add3A_77 = arith.addf %add3A_71, %dot_general3A_76 : vector<512x128xf32>
    %get3A_78 = arith.constant 0 : index
    %get3A_79 = arith.constant 0 : index
    %get3A_80 = vector.load %arg12[%get3A_78, %get3A_79] : memref<32x128xf32, #tpu.memory_space<vmem>>, vector<32x128xf32>
    %dot_general3A_81 = arith.constant dense<0.000000e+00> : vector<512x128xf32>
    %dot_general3A_82 = tpu.matmul %mul3A_41, %get3A_80, %dot_general3A_81 {dimension_numbers = #tpu.dot_dimension_numbers<[1], [0], [0], [1], [0, 0, 1, 1], [], []>, transpose_lhs_hint = false} : vector<512x32xf32>, vector<32x128xf32>, vector<512x128xf32> -> vector<512x128xf32>
    %add3A_83 = arith.addf %add3A_77, %dot_general3A_82 : vector<512x128xf32>
    %get3A_84 = arith.constant 0 : index
    %get3A_85 = arith.constant 0 : index
    %get3A_86 = vector.load %arg13[%get3A_84, %get3A_85] : memref<1x128xf32, #tpu.memory_space<vmem>>, vector<1x128xf32>
    %add3A_87 = vector.broadcast %get3A_86 : vector<1x128xf32> to vector<512x128xf32>
    %add3A_88 = arith.addf %add3A_83, %add3A_87 : vector<512x128xf32>
    %logistic3A_89 = arith.negf %add3A_88 : vector<512x128xf32>
    %logistic3A_90 = math.exp %logistic3A_89 : vector<512x128xf32>
    %logistic3A_91 = arith.constant 1.000000e+00 : f32
    %logistic3A_92 = vector.broadcast %logistic3A_91 : f32 to vector<512x128xf32>
    %logistic3A_93 = arith.addf %logistic3A_92, %logistic3A_90 : vector<512x128xf32>
    %logistic3A_94 = arith.divf %logistic3A_92, %logistic3A_93 : vector<512x128xf32>
    %mul3A_95 = arith.mulf %add3A_88, %logistic3A_94 : vector<512x128xf32>
    %mul3A_96 = arith.mulf %mul3A_95, %mul3A_95 : vector<512x128xf32>
    %reduce_sum3A_97 = arith.constant dense<0.000000e+00> : vector<512xf32>
    %reduce_sum3A_98 = vector.multi_reduction <add>, %mul3A_96, %reduce_sum3A_97 [1] : vector<512x128xf32> to vector<512xf32>
    %broadcast_in_dim3A_99 = vector.shape_cast %reduce_sum3A_98 : vector<512xf32> to vector<512x1xf32>
    %div3A_100 = arith.constant 1.280000e+02 : f32
    %div3A_101 = vector.broadcast %div3A_100 : f32 to vector<512x1xf32>
    %div3A_102 = arith.divf %broadcast_in_dim3A_99, %div3A_101 : vector<512x1xf32>
    %add3A_103 = arith.constant 1.1920929E-7 : f32
    %add3A_104 = vector.broadcast %add3A_103 : f32 to vector<512x1xf32>
    %add3A_105 = arith.addf %div3A_102, %add3A_104 : vector<512x1xf32>
    %rsqrt3A_106 = math.rsqrt %add3A_105 : vector<512x1xf32>
    %mul3A_107 = vector.broadcast %rsqrt3A_106 : vector<512x1xf32> to vector<512x128xf32>
    %mul3A_108 = arith.mulf %mul3A_95, %mul3A_107 : vector<512x128xf32>
    %get3A_109 = arith.constant 0 : index
    %get3A_110 = arith.constant 0 : index
    %get3A_111 = vector.load %arg14[%get3A_109, %get3A_110] : memref<1x128xf32, #tpu.memory_space<vmem>>, vector<1x128xf32>
    %mul3A_112 = vector.broadcast %get3A_111 : vector<1x128xf32> to vector<512x128xf32>
    %mul3A_113 = arith.mulf %mul3A_108, %mul3A_112 : vector<512x128xf32>
    %get3A_114 = arith.constant 0 : index
    %get3A_115 = arith.constant 0 : index
    %get3A_116 = vector.load %arg15[%get3A_114, %get3A_115] : memref<128x512xf32, #tpu.memory_space<vmem>>, vector<128x512xf32>
    %dot_general3A_117 = arith.constant dense<0.000000e+00> : vector<512x512xf32>
    %dot_general3A_118 = tpu.matmul %mul3A_113, %get3A_116, %dot_general3A_117 {dimension_numbers = #tpu.dot_dimension_numbers<[1], [0], [0], [1], [0, 0, 1, 1], [], []>, transpose_lhs_hint = false} : vector<512x128xf32>, vector<128x512xf32>, vector<512x512xf32> -> vector<512x512xf32>
    %get3A_119 = arith.constant 0 : index
    %get3A_120 = arith.constant 0 : index
    %get3A_121 = vector.load %arg16[%get3A_119, %get3A_120] : memref<1x512xf32, #tpu.memory_space<vmem>>, vector<1x512xf32>
    %add3A_122 = vector.broadcast %get3A_121 : vector<1x512xf32> to vector<512x512xf32>
    %add3A_123 = arith.addf %dot_general3A_118, %add3A_122 : vector<512x512xf32>
    %swap3A = arith.constant 0 : index
    %swap3A_124 = arith.constant 0 : index
    %swap3A_125 = vector.load %arg17[%swap3A, %swap3A_124] : memref<512x512xf32, #tpu.memory_space<vmem>>, vector<512x512xf32>
    tpu.vector_store %arg17[%swap3A, %swap3A_124], %add3A_123 {strides = array<i32>} : memref<512x512xf32, #tpu.memory_space<vmem>>, vector<512x512xf32>,
    return
  }
  func.func @transform_0(%arg0: i32) -> (i32, i32, i32) {
    %c0_i32 = arith.constant 0 : i32
    %c0_i32_0 = arith.constant 0 : i32
    %c0_i32_1 = arith.constant 0 : i32
    return %arg0, %c0_i32, %c0_i32_0 : i32, i32, i32
  }
  func.func @transform_1(%arg0: i32) -> (i32, i32) {
    %c0_i32 = arith.constant 0 : i32
    %c0_i32_0 = arith.constant 0 : i32
    return %arg0, %c0_i32 : i32, i32
  }
  func.func @transform_2(%arg0: i32) -> (i32, i32) {
    %c0_i32 = arith.constant 0 : i32
    %c0_i32_0 = arith.constant 0 : i32
    return %arg0, %c0_i32 : i32, i32
  }
  func.func @transform_3(%arg0: i32) -> (i32, i32) {
    %c0_i32 = arith.constant 0 : i32
    %c0_i32_0 = arith.constant 0 : i32
    return %arg0, %c0_i32 : i32, i32
  }
  func.func @transform_4(%arg0: i32) -> (i32, i32) {
    %c0_i32 = arith.constant 0 : i32
    %c0_i32_0 = arith.constant 0 : i32
    %c0_i32_1 = arith.constant 0 : i32
    return %c0_i32, %c0_i32_0 : i32, i32
  }
  func.func @transform_5(%arg0: i32) -> (i32, i32) {
    %c0_i32 = arith.constant 0 : i32
    %c0_i32_0 = arith.constant 0 : i32
    %c0_i32_1 = arith.constant 0 : i32
    return %c0_i32, %c0_i32_0 : i32, i32
  }
  func.func @transform_6(%arg0: i32) -> (i32, i32) {
    %c0_i32 = arith.constant 0 : i32
    %c0_i32_0 = arith.constant 0 : i32
    %c0_i32_1 = arith.constant 0 : i32
    return %c0_i32, %c0_i32_0 : i32, i32
  }
  func.func @transform_7(%arg0: i32) -> (i32, i32) {
    %c0_i32 = arith.constant 0 : i32
    %c0_i32_0 = arith.constant 0 : i32
    %c0_i32_1 = arith.constant 0 : i32
    return %c0_i32, %c0_i32_0 : i32, i32
  }
  func.func @transform_8(%arg0: i32) -> (i32, i32) {
    %c0_i32 = arith.constant 0 : i32
    %c0_i32_0 = arith.constant 0 : i32
    %c0_i32_1 = arith.constant 0 : i32
    return %c0_i32, %c0_i32_0 : i32, i32
  }
  func.func @transform_9(%arg0: i32) -> (i32, i32) {
    %c0_i32 = arith.constant 0 : i32
    %c0_i32_0 = arith.constant 0 : i32
    %c0_i32_1 = arith.constant 0 : i32
    return %c0_i32, %c0_i32_0 : i32, i32
  }
  func.func @transform_10(%arg0: i32) -> (i32, i32) {
    %c0_i32 = arith.constant 0 : i32
    %c0_i32_0 = arith.constant 0 : i32
    %c0_i32_1 = arith.constant 0 : i32
    return %c0_i32, %c0_i32_0 : i32, i32
  }
  func.func @transform_11(%arg0: i32) -> (i32, i32) {
    %c0_i32 = arith.constant 0 : i32
    %c0_i32_0 = arith.constant 0 : i32
    %c0_i32_1 = arith.constant 0 : i32
    return %c0_i32, %c0_i32_0 : i32, i32
  }
  func.func @transform_12(%arg0: i32) -> (i32, i32) {
    %c0_i32 = arith.constant 0 : i32
    %c0_i32_0 = arith.constant 0 : i32
    %c0_i32_1 = arith.constant 0 : i32
    return %c0_i32, %c0_i32_0 : i32, i32
  }
  func.func @transform_13(%arg0: i32) -> (i32, i32) {
    %c0_i32 = arith.constant 0 : i32
    %c0_i32_0 = arith.constant 0 : i32
    %c0_i32_1 = arith.constant 0 : i32
    return %c0_i32, %c0_i32_0 : i32, i32
  }
  func.func @transform_14(%arg0: i32) -> (i32, i32) {
    %c0_i32 = arith.constant 0 : i32
    %c0_i32_0 = arith.constant 0 : i32
    %c0_i32_1 = arith.constant 0 : i32
    return %c0_i32, %c0_i32_0 : i32, i32
  }
  func.func @transform_15(%arg0: i32) -> (i32, i32) {
    %c0_i32 = arith.constant 0 : i32
    %c0_i32_0 = arith.constant 0 : i32
    %c0_i32_1 = arith.constant 0 : i32
    return %c0_i32, %c0_i32_0 : i32, i32
  }
  func.func @transform_16(%arg0: i32) -> (i32, i32) {
    %c0_i32 = arith.constant 0 : i32
    %c0_i32_0 = arith.constant 0 : i32
    return %arg0, %c0_i32 : i32, i32
  }
}

</mosaic_0001>

<sc_bundles>
// kernel: kernel.4.cloned.1.call-start
scs
__scs_entry_jumppad:
0x0: {  	(pc) =	sbr.rel $0x88, $3  }
0x1: {  	(tag) =	ssettag $0x0;
	lr =	simm.s32 $0x1  }
0x2: {  	[smem:$0x3F92] =	sst lr;
	_ =	strace $0xD0000000  }
0x3: {  	_ = 	snop  }
0x4: {  	_ = 	snop  }
0x5: {  	_ = 	snop  }
0x6: {  	_ = 	snop  }
0x7: {  	_ = 	snop  }
__scs_overlays_trampoline_lowered:
0x8: {  	[smem:$0x3FA1] =	sst s0  }
0x9: {  	[smem:$0x3FA2] =	sst s1  }
0xa: {  	[smem:$0x3FA3] =	sst s2  }
0xb: {  	[smem:$0x3FA4] =	sst s3  }
0xc: {  	[smem:$0x3FA5] =	sst s4  }
0xd: {  	[smem:$0x3FA6] =	sst s5  }
0xe: {  	[smem:$0x3FA7] =	sst s6  }
0xf: {  	[smem:$0x3FA8] =	sst s7  }
0x10: {  	[smem:$0x3FA9] =	sst s8  }
0x11: {  	[smem:$0x3FAA] =	sst s9;
	s0 =	simm.s32 @!p0 $0x0  }
0x12: {  	s1 =	sld [smem:$0x3F90];
	s0 =	simm.s32 @p0 $0x1  }
0x13: {  	[smem:$0x3FAB] =	sst s0;
	s0 =	simm.s32 @!p1 $0x0  }
0x14: {  	s2 =	sld [smem:$0x3F8F];
	s0 =	simm.s32 @p1 $0x1  }
0x15: {  	[smem:$0x3FAC] =	sst s0;
	s0 =	simm.s32 @!p2 $0x0  }
0x16: {  	s3 =	sld [smem:$0x3FDB];
	s0 =	simm.s32 @p2 $0x1  }
0x17: {  	s4 =	simm.s32 $0x1BF5;
	[smem:$0x3FAE] =	sst s0  }
0x18: {  	s0 =	sld [smem:$0x3F91];
	_ =	swait.ge [sflag:s4], $0x0  }
0x19: {  	s7 =	sld [smem:$0x3F92]  }
0x1a: {  	s8 =	sadd.s32 $0xFFFFE003, lr  }
0x1b: {  	s9 =	sadd.s32 $0xFFFFFEF7, lr;
	s5 =	simm.s32 $0xFFFFFFFF;
	p2 =	slt.u32 s8, $0xFFFFF086  }
0x1c: {  	p1 =	slt.u32 s9, $0xF7A;
	s5 =	simm.s32 @!p2 $0x0  }
0x1d: {  	s5 =	simm.s32 @p1 $0x1;
	p0 =	seq.s32 s7, s2  }
0x1e: {  	s7 =	smul.u32 @!p0 $0xF7A, s2;
	p2 =	seq.s32 @!p0 s5, $0x0  }
0x1f: {  	s9 =	smul.u32 $0xF7A, s1;
	s8 =	simm.s32 @!p0 $0x1BF5;
	p2 =	por !p2, p0  }
0x20: {  	[sflag:s8] =	ssyncset.s32 @!p0 $0xFFFFF086;
	s6 =	sadd.s32 @!p0 s3, s7;
	s7 =	simm.s32 @!p0 $0x108  }
0x21: {  	s3 =	sadd.s32 s3, s9;
	s6 =	sadd.s32 @!p0 $0x88, s6;
	s7 =	simm.s32 @p2 $0x1082  }
0x22: {  	[simem:s7], [sflag:s8] =	dma.local @!p0 [hbm:s6], $0xF7A  }
0x23: {  	s9 =	sor.u32 $0xD0000000, s2;
	s6 =	simm.s32 $0x108;
	_ =	swait.ge @!p0 [sflag:s8], $0x0  }
0x24: {  	s3 =	sadd.s32 $0x88, s3;
	s6 =	simm.s32 @!p1 $0x1082;
	[sflag:s4] =	ssyncset.s32 $0xFFFFF086  }
0x25: {  	[simem:s6], [sflag:s4] =	dma.local [hbm:s3], $0xF7A  }
0x26: {  	[smem:$0x3F92] =	sst s1;
	(tag) =	ssettag s2;
	_ =	strace s9  }
0x27: {  	s1 =	sld [smem:$0x3FA2]  }
0x28: {  	s2 =	sld [smem:$0x3FA3]  }
0x29: {  	s4 =	sld [smem:$0x3FA5]  }
0x2a: {  	p0 =	seq.s32 s5, $0x0;
	s5 =	sld [smem:$0x3FA6]  }
0x2b: {  	s6 =	sld [smem:$0x3FA7]  }
0x2c: {  	s7 =	sld [smem:$0x3FA8]  }
0x2d: {  	s3 =	simm.s32 $0x108;
	s8 =	sld [smem:$0x3FA9]  }
0x2e: {  	s3 =	simm.s32 @!p0 $0x1082;
	s9 =	sld [smem:$0x3FAA]  }
0x2f: {  	lr =	sadd.s32 s0, s3;
	s0 =	sld [smem:$0x3FA1]  }
0x30: {  	s3 =	sld [smem:$0x3FA4]  }
0x31: {  	[smem:$0x3FAD] =	sst s10  }
0x32: {  	s10 =	sld [smem:$0x3FAB];
	_ =	sdelay $0x3  }
0x33: {  	p0 =	seq.s32 s10, $0x1;
	s10 =	sld [smem:$0x3FAD];
	_ =	sdelay $0x3  }
0x34: {  	[smem:$0x3FAD] =	sst s10  }
0x35: {  	s10 =	sld [smem:$0x3FAC];
	_ =	sdelay $0x3  }
0x36: {  	p1 =	seq.s32 s10, $0x1;
	s10 =	sld [smem:$0x3FAD];
	_ =	sdelay $0x3  }
0x37: {  	[smem:$0x3FAD] =	sst s10  }
0x38: {  	s10 =	sld [smem:$0x3FAE]  }
0x39: {  	_ = 	snop;
	(pc) =	sbr.ind lr, $3  }
0x3a: {  	_ = 	snop  }
0x3b: {  	_ = 	snop  }
0x3c: {  	p2 =	seq.s32 s10, $0x1;
	s10 =	sld [smem:$0x3FAD]  }
0x3d: {  	_ =	shalt  }
0x3e: {  	_ =	shalt  }
0x3f: {  	_ =	shalt  }
0x40: {  	_ =	shalt  }
0x41: {  	_ =	shalt  }
0x42: {  	_ =	shalt  }
0x43: {  	_ =	shalt  }
0x44: {  	_ =	shalt  }
0x45: {  	_ =	shalt  }
0x46: {  	_ =	shalt  }
0x47: {  	_ =	shalt  }
0x48: {  	_ =	shalt  }
0x49: {  	_ =	shalt  }
0x4a: {  	_ =	shalt  }
0x4b: {  	_ =	shalt  }
0x4c: {  	_ =	shalt  }
0x4d: {  	_ =	shalt  }
0x4e: {  	_ =	shalt  }
0x4f: {  	_ =	shalt  }
0x50: {  	_ =	shalt  }
0x51: {  	_ =	shalt  }
0x52: {  	_ =	shalt  }
0x53: {  	_ =	shalt  }
0x54: {  	_ =	shalt  }
0x55: {  	_ =	shalt  }
0x56: {  	_ =	shalt  }
0x57: {  	_ =	shalt  }
0x58: {  	_ =	shalt  }
0x59: {  	_ =	shalt  }
0x5a: {  	_ =	shalt  }
0x5b: {  	_ =	shalt  }
0x5c: {  	_ =	shalt  }
0x5d: {  	_ =	shalt  }
0x5e: {  	_ =	shalt  }
0x5f: {  	_ =	shalt  }
0x60: {  	_ =	shalt  }
0x61: {  	_ =	shalt  }
0x62: {  	_ =	shalt  }
0x63: {  	_ =	shalt  }
0x64: {  	_ =	shalt  }
0x65: {  	_ =	shalt  }
0x66: {  	_ =	shalt  }
0x67: {  	_ =	shalt  }
0x68: {  	_ =	shalt  }
0x69: {  	_ =	shalt  }
0x6a: {  	_ =	shalt  }
0x6b: {  	_ =	shalt  }
0x6c: {  	_ =	shalt  }
0x6d: {  	_ =	shalt  }
0x6e: {  	_ =	shalt  }
0x6f: {  	_ =	shalt  }
0x70: {  	_ =	shalt  }
0x71: {  	_ =	shalt  }
0x72: {  	_ =	shalt  }
0x73: {  	_ =	shalt  }
0x74: {  	_ =	shalt  }
0x75: {  	_ =	shalt  }
0x76: {  	_ =	shalt  }
0x77: {  	_ =	shalt  }
0x78: {  	_ =	shalt  }
0x79: {  	_ =	shalt  }
0x7a: {  	_ =	shalt  }
0x7b: {  	_ =	shalt  }
0x7c: {  	_ =	shalt  }
0x7d: {  	_ =	shalt  }
0x7e: {  	_ =	shalt  }
0x7f: {  	_ =	shalt  }
0x80: {  	_ =	shalt  }
0x81: {  	_ =	shalt  }
0x82: {  	_ =	shalt  }
0x83: {  	_ =	shalt  }
0x84: {  	_ =	shalt  }
0x85: {  	_ =	shalt  }
0x86: {  	_ =	shalt  }
0x87: {  	_ =	shalt  }
.Lfunc_end0:
.L_simem_size_0:
called_computation_lowered:
.L_overlay_start_0:
0x88: {  	s2 =	sld [smem:$0x3FD9]  }
0x89: {  	s3 =	sld [smem:$0x3FFE];
	_ =	sdelay $0x1  }
0x8a: {  	s1 =	srdreg.scid  }
0x8b: {  	s0 =	sand.u32 $0x1, s1  }
0x8c: {  	s17 =	sshll.u32 s0, $0xA;
	s2 =	sadd.s32 s3, s2  }
0x8d: {  	s2 =	sadd.s32 s2, s17  }
0x8e: {  	[smem:$0x3FB9] =	sst s2  }
0x8f: {  	_ = 	snop  }
0x90: {  	s2 =	sld [smem:$0x3FC9]  }
0x91: {  	s18 =	sld [smem:$0x3FC8]  }
0x92: {  	s4 =	sld [smem:$0x3FD0];
	(tm) =	ssettm $0x1  }
0x93: {  	s5 =	sld [smem:$0x3FFB];
	_ =	sdelay $0x3  }
0x94: {  	_ =	strace s5  }
0x95: {  	s5 =	sld [smem:$0x3FFC];
	_ =	sdelay $0x3  }
0x96: {  	_ =	strace s5  }
0x97: {  	s5 =	sld [smem:$0x3FFD];
	_ =	sdelay $0x3  }
0x98: {  	_ =	strace s5  }
0x99: {  	_ =	strace $0x8FFFFFFF  }
0x9a: {  	s19 =	sld [smem:$0x3FDB];
	_ =	sdelay $0x1  }
0x9b: {  	s6 =	simm.s32 $_scs_section_size  }
0x9c: {  	s7 =	simm.s32 $_size__tile_overlayer_lowered;
	s8 =	simm.s32 $_tile_overlayer_lowered  }
0x9d: {  	s22 =	simm.s32 $0x1BFF;
	s21 =	sshll.u32 s8, $0x1;
	s5 =	sadd.s32 s6, s19  }
0x9e: {  	s9 =	simm.s32 $0x0;
	s20 =	sshll.u32 s7, $0x1;
	s7 =	sadd.s32 s21, s5  }
0x9f: {  	[timem:s9], [sflag:s22] =	dma.local [hbm:s7], s20  }
0xa0: {  	_ =	swait.ge [sflag:s22], s20  }
0xa1: {  	s6 =	ssub.s32 $0x0, s20;
	[sflag:s22] =	ssyncset.done $0x0  }
0xa2: {  	[sflag:s22] =	ssyncadd.s32 s6;
	_ =	sdelay $0x1  }
0xa3: {  	s23 =	simm.s32 $0x1B8B  }
0xa4: {  	_ =	swait.ge [sflag:s23], $0x1  }
0xa5: {  	[sflag:s23] =	ssyncset.done $0x0  }
0xa6: {  	s25 =	simm.s32 $0x1B8E;
	s24 =	sld [smem:$0x3FFE];
	[sflag:s23] =	ssyncadd.s32 $0xFFFFFFFF  }
0xa7: {  	s26 =	simm.s32 $execute0_lowered;
	[smem:$0x3FD2] =	sst s25  }
0xa8: {  	s7 =	sshll.u32 s26, $0x1;
	_ =	strace $0x80000046;
	[dreg:$0x1] =	wrdreg $0xFFFFFFFF  }
0xa9: {  	s28 =	simm.s32 $_size_execute0_lowered;
	s5 =	sadd.s32 s5, s7;
	[dreg:$0x0] =	wrdreg $0x0  }
0xaa: {  	s7 =	sshll.u32 s28, $0x1;
	[dreg:$0x2] =	wrdreg s5  }
0xab: {  	[dreg:$0x3] =	wrdreg s7  }
0xac: {  	[dreg:$0x4] =	wrdreg $0xC0  }
0xad: {  	_ =	task [dreg:s9], $0x5FFFF  }
0xae: {  	[dreg:$0x1] =	wrdreg $0xFFFFFFFF  }
0xaf: {  	[dreg:$0x0] =	wrdreg $0x60  }
0xb0: {  	[dreg:$0x2] =	wrdreg s2  }
0xb1: {  	[dreg:$0x3] =	wrdreg s18  }
0xb2: {  	[dreg:$0x4] =	wrdreg s24  }
0xb3: {  	[dreg:$0x5] =	wrdreg s4  }
0xb4: {  	[dreg:$0x6] =	wrdreg $0x9  }
0xb5: {  	_ =	task.clear_ibuf [dreg:s9], $0x7FFFF;
	_ =	strace $0x90000046  }
0xb6: {  	s29 =	simm.s32 $0x9;
	_ =	strace $0x80000048  }
0xb7: {  	_ =	swait.ge [sflag:s29], $0x1  }
0xb8: {  	[sflag:s29] =	ssyncadd.s32 $0xFFFFFFFF  }
0xb9: {  	_ =	strace $0x90000048  }
0xba: {  	_ =	sfence  }
0xbb: {  	s30 =	sld [smem:$0x0];
	_ =	sdelay $0x2  }
0xbc: {  	s31 =	sshll.u32 s1, $0xD;
	s1 =	sshrl.u32 s1, $0x2  }
0xbd: {  	s3 =	sand.u32 $0x4000, s31;
	s1 =	sadd.s32 s1, s30  }
0xbe: {  	s0 =	sor.u32 s3, s0;
	s1 =	sshll.u32 s1, $0x11  }
0xbf: {  	s0 =	sor.u32 s1, s0  }
0xc0: {  	s0 =	sadd.s32 $0x8F2B, s0  }
0xc1: {  	[sflag:s0] =	ssyncadd.remote.s32 $0x1  }
0xc2: {  	_ =	sfence.sel $0xFFFF  }
0xc3: {  	[dreg:$0x0] =	wrdreg $0xFFFFFFFF;
	(pc) =	sbr.abs _section_cstart, $3  }
0xc4: {  	[dreg:$0x1] =	wrdreg $0xFFFFFFFF  }
0xc5: {  	_ =	task.clear_ibuf [dreg:s9], $0x2FFFF;
	_ =	strace $0x9FFFFFFF  }
0xc6: {  	(tm) =	ssettm $0x7FFFFFFF  }
0xc7: {  	_ =	shalt  }
tec
execute0_lowered:
.L_overlay_start_1:
0x0: {  	(tag) =	ssettag $0x1  }
0x1: {  	s4 =	rddreg [dreg:$0x0]  }
0x2: {  	s6 =	rddreg [dreg:$0x1];
	s1 =	srdreg.scid  }
0x3: {  	s14 =	rddreg [dreg:$0x2];
	s0 =	stileid.u32;
	s13 =	sand.u32 $0x1, s1  }
0x4: {  	s2 =	rddreg [dreg:$0x3];
	s5 =	sshll.u32 s0, $0xA;
	s7 =	sshll.u32 s13, $0x9  }
0x5: {  	s3 =	simm.s32 $0x0;
	s1 =	rddreg [dreg:$0x4];
	s15 =	sor.u32 s7, s5  }
0x6: {  	[smem:$0x7FF] =	sst s3;
	s7 =	sshrl.u32 s15, $0x3  }
0x7: {  	_ =	strace $0x80000047;
	s5 =	sadd.s32 s4, s7;
	s4 =	simm.s32 $0x3  }
0x8: {  	[tilespmem:s3], [sflag:$0x3] =	stream.linear.gather [hbm4b:s5+s3], $0x200, $0x38;
	[tilespmem:$0x6400] =	vst v63  }
0x9: {  	_ =	swait.ge [sflag:s4], $0x200  }
0xa: {  	[sflag:s4] =	ssyncset.done $0x0  }
0xb: {  	s6 =	sadd.s32 s6, s7;
	s7 =	simm.s32 $0x200;
	[sflag:s4] =	ssyncadd.s32 $0xFFFFFE00  }
0xc: {  	[tilespmem:s7], [sflag:$0x3] =	stream.linear.gather [hbm4b:s6+s3], $0x200, $0x38;
	[tilespmem:$0x6400] =	vst v63  }
0xd: {  	_ =	swait.ge [sflag:s4], $0x200  }
0xe: {  	[sflag:s4] =	ssyncset.done $0x0  }
0xf: {  	s9 =	simm.s32 $0x400;
	s8 =	sadd.s32 $0xF44800, s14;
	[sflag:s4] =	ssyncadd.s32 $0xFFFFFE00  }
0x10: {  	[tilespmem:s9], [sflag:$0x1] =	stream.indirect.gather [hbm4b:s8+s7], $0x20, s3, s7, $0xb8;
	[tilespmem:$0x6400] =	vst v63  }
0x11: {  	s10 =	simm.s32 $0x4400;
	s11 =	simm.s32 $0x1  }
0x12: {  	[tilespmem:s10], [sflag:$0x2] =	stream.indirect.gather [hbm4b:s2+s7], $0x10, s7, s7, $0xb8;
	[tilespmem:$0x6400] =	vst v63  }
0x13: {  	_ =	swait.ge [sflag:s11], $0x4000  }
0x14: {  	s12 =	simm.s32 $0x2;
	s17 =	ssub.s32 $0x2, s13;
	[sflag:s11] =	ssyncset.done $0x0  }
0x15: {  	s30 =	sshrl.u32 s17, $0x1;
	s16 =	sshll.u32 s15, $0x2;
	[sflag:s11] =	ssyncadd.s32 $0xFFFFC000  }
0x16: {  	s15 =	sshll.u32 s15, $0x1;
	s31 =	ssub.s32 s17, s30;
	_ =	swait.ge [sflag:s12], $0x2000  }
0x17: {  	s16 =	sadd.s32 s16, s14;
	s14 =	sadd.s32 s15, s14;
	[sflag:s12] =	ssyncset.done $0x0  }
0x18: {  	s15 =	smax.u32 s31, $0x1;
	s13 =	sadd.s32 $0xA400, s16;
	[sflag:s12] =	ssyncadd.s32 $0xFFFFE000  }
0x19: {  	[hbm4b:s13+s3] =	stream.linear.scatter [tilespmem:s9], [sflag:$0x3], $0x4000, $0x38;
	[tilespmem:$0x6400] =	vst v63  }
0x1a: {  	p0 =	sne.s32 s15, $0x1;
	_ =	swait.ge [sflag:s4], $0x4000  }
.Ltmp0:
0x1b: {  	[sflag:s4] =	ssyncset.done $0x0;
	(pc) =	sbr.rel @!p0 .LBB2_2-.Ltmp0, $4  }
0x1c: {  	s14 =	sadd.s32 $0x2400, s14;
	[sflag:s4] =	ssyncadd.s32 $0xFFFFC000  }
0x1d: {  	[hbm4b:s14+s3] =	stream.linear.scatter [tilespmem:s10], [sflag:$0x3], $0x2000, $0x38;
	[tilespmem:$0x6400] =	vst v63  }
0x1e: {  	_ =	swait.ge [sflag:s4], $0x2000  }
0x1f: {  	s15 =	sadd.s32 $0xFFFFFFFF, s15;
	[sflag:s4] =	ssyncset.done $0x0  }
.LBB2_1:
0x20: {  	p0 =	sne.s32 s15, $0x1;
	s15 =	sadd.s32 $0xFFFFFFFF, s15;
	[sflag:s4] =	ssyncadd.s32 $0xFFFFE000  }
0x21: {  	[tilespmem:s3], [sflag:$0x3] =	stream.linear.gather [hbm4b:s5+s3], $0x200, $0x38;
	[tilespmem:$0x6400] =	vst v63  }
0x22: {  	_ =	swait.ge [sflag:s4], $0x200  }
0x23: {  	[sflag:s4] =	ssyncset.done $0x0  }
0x24: {  	[sflag:s4] =	ssyncadd.s32 $0xFFFFFE00  }
0x25: {  	[tilespmem:s7], [sflag:$0x3] =	stream.linear.gather [hbm4b:s6+s3], $0x200, $0x38;
	[tilespmem:$0x6400] =	vst v63  }
0x26: {  	_ =	swait.ge [sflag:s4], $0x200  }
0x27: {  	[sflag:s4] =	ssyncset.done $0x0  }
0x28: {  	[sflag:s4] =	ssyncadd.s32 $0xFFFFFE00  }
0x29: {  	[tilespmem:s9], [sflag:$0x1] =	stream.indirect.gather [hbm4b:s8+s7], $0x20, s3, s7, $0xb8;
	[tilespmem:$0x6400] =	vst v63  }
0x2a: {  	_ = 	snop  }
0x2b: {  	[tilespmem:s10], [sflag:$0x2] =	stream.indirect.gather [hbm4b:s2+s7], $0x10, s7, s7, $0xb8;
	[tilespmem:$0x6400] =	vst v63  }
0x2c: {  	_ =	swait.ge [sflag:s11], $0x4000  }
0x2d: {  	[sflag:s11] =	ssyncset.done $0x0  }
0x2e: {  	[sflag:s11] =	ssyncadd.s32 $0xFFFFC000  }
0x2f: {  	_ =	swait.ge [sflag:s12], $0x2000  }
0x30: {  	[sflag:s12] =	ssyncset.done $0x0  }
0x31: {  	[sflag:s12] =	ssyncadd.s32 $0xFFFFE000  }
0x32: {  	[hbm4b:s13+s3] =	stream.linear.scatter [tilespmem:s9], [sflag:$0x3], $0x4000, $0x38;
	[tilespmem:$0x6400] =	vst v63  }
0x33: {  	_ =	swait.ge [sflag:s4], $0x4000  }
.Ltmp1:
0x34: {  	[sflag:s4] =	ssyncset.done $0x0;
	(pc) =	sbr.rel @p0 .LBB2_1-.Ltmp1, $4  }
0x35: {  	[sflag:s4] =	ssyncadd.s32 $0xFFFFC000  }
0x36: {  	[hbm4b:s14+s3] =	stream.linear.scatter [tilespmem:s10], [sflag:$0x3], $0x2000, $0x38;
	[tilespmem:$0x6400] =	vst v63  }
0x37: {  	_ =	swait.ge [sflag:s4], $0x2000  }
0x38: {  	[sflag:s4] =	ssyncset.done $0x0  }
.LBB2_2:
0x39: {  	[sflag:s4] =	ssyncadd.s32 $0xFFFFE000  }
0x3a: {  	_ =	sfence.sel $0x180000  }
0x3b: {  	[bflag:$0x0] =	sbarrier.arrive $0xFFFF  }
0x3c: {  	p0 =	sne.s32 s0, $0x0;
	_ =	strace $0x90000047  }
0x3d: {  	s0 =	sadd.s32 @!p0 $0x100000, s1;
	[bflag:$0x2] =	sbarrier.arrive $0xFFFF  }
0x3e: {  	[sflag:s0] =	ssyncadd.tile.s32 @!p0 $0x1;
	_ =	shalt  }
.Lfunc_end2:
_tile_overlayer_lowered:
.L_overlay_start_2:
0x3f: {  	(tag) =	ssettag $0x2  }
0x40: {  	s0 =	rddreg [dreg:$0x0];
	s2 =	stileid.u32  }
0x41: {  	s1 =	rddreg [dreg:$0x1];
	p0 =	sne.s32 s2, $0x0  }
0x42: {  	s3 =	rddreg [dreg:$0x2];
	[bflag:$0x3] =	sbarrier.arrive $0xFFFF;
	s2 =	simm.s32 @!p0 $0x1C03  }
0x43: {  	[timem:s3], [sflag:s2] =	dma.local @!p0 [hbm:s0], s1  }
0x44: {  	s0 =	simm.s32 @!p0 $0x3  }
0x45: {  	_ =	swait.ge @!p0 [sflag:s0], s1  }
0x46: {  	s1 =	ssub.s32 @!p0 $0x0, s1;
	[sflag:s0] =	ssyncset.done @!p0 $0x0  }
0x47: {  	[sflag:s0] =	ssyncadd.s32 @!p0 s1  }
0x48: {  	[bflag:$0x3] =	sbarrier.arrive $0xFFFF  }
0x49: {  	_ =	shalt  }

</sc_bundles>
